<compile_context>
chip_gen: v7x
topology: tpu7x:2x2x1
jax: 0.10.2.dev20260603
libtpu: 0.0.44.dev20260713+nightly
codegen_flags: <defaults>
</compile_context>

<pallas_src>
import functools

import jax
import jax.numpy as jnp
from jax import lax
from jax.experimental import pallas as pl
from jax.experimental.pallas import tpu as pltpu
from jax.experimental.pallas import tpu_sc as plsc

_B, _S, _D = 16, 2048, 768
_W = 1024
_NL = 9
_PAD = 16

_NC, _NS = 2, 16
_CHUNK = 1
_CB = _B // _CHUNK
_QP = _NC * _NS // _CB
_SS = _S // _QP


_RB = 2


def _tc1_body(x_ref, w_ref, p_ref):
    x = x_ref[...].reshape(_RB * _S, _D)
    w = w_ref[...]
    logits = jnp.dot(x, w, preferred_element_type=jnp.float32)
    m = jnp.max(logits, axis=-1, keepdims=True)
    e = jnp.exp(logits - m)
    p = e / jnp.sum(e, axis=-1, keepdims=True)
    p16 = jnp.concatenate(
        [
            p,
            jnp.ones((_RB * _S, 1), jnp.float32),
            jnp.zeros((_RB * _S, _PAD - _NL - 1), jnp.float32),
        ],
        axis=1,
    )
    p_ref[...] = jnp.swapaxes(p16.reshape(_RB, _S, _PAD), 1, 2)


def _tc1_call(x, w, ci):
    return pl.pallas_call(
        _tc1_body,
        grid=(_CB // _RB,),
        in_specs=[
            pl.BlockSpec((_RB, _S, _D), lambda i: (ci * _CB // _RB + i, 0, 0)),
            pl.BlockSpec((_D, _NL), lambda i: (0, 0)),
        ],
        out_specs=pl.BlockSpec((_RB, _PAD, _S), lambda i: (i, 0, 0)),
        out_shape=jax.ShapeDtypeStruct((_CB, _PAD, _S), jnp.float32),
        compiler_params=pltpu.CompilerParams(vmem_limit_bytes=100 * 1024 * 1024),
    )(x, w)


def _sc_seg_sum(probs_t, word_ids, zeros_hbm_arr, ci):
    mesh = plsc.VectorSubcoreMesh(core_axis_name="c", subcore_axis_name="s")

    @functools.partial(
        pl.kernel,
        mesh=mesh,
        out_type=jax.ShapeDtypeStruct((_CB, _QP, _PAD, _W), jnp.float32),
        compiler_params=pltpu.CompilerParams(needs_layout_passes=False),
        scratch_types=[
            pltpu.VMEM((_SS,), jnp.int32),
            pltpu.VMEM((_PAD, _SS), jnp.float32),
            pltpu.VMEM((_PAD, _W), jnp.float32),
            pltpu.SemaphoreType.DMA,
            pltpu.SemaphoreType.DMA,
            pltpu.SemaphoreType.DMA,
        ],
    )
    def k(probs_hbm, wid_hbm, zeros_hbm, out_hbm, idx_v, pv, acc, s0, s1, s2):
        c = lax.axis_index("c")
        s = lax.axis_index("s")
        unit = c * _NS + s
        b = unit // _QP
        q = unit % _QP

        c0 = pltpu.async_copy(
            wid_hbm.at[ci * _CB + b, pl.ds(q * _SS, _SS)], idx_v, s0)
        c1 = pltpu.async_copy(
            probs_hbm.at[b, :, pl.ds(q * _SS, _SS)], pv, s1)
        c2 = pltpu.async_copy(zeros_hbm, acc, s2)
        c0.wait()
        c1.wait()
        c2.wait()

        def body(t, carry):
            sl = pl.ds(t * 16, 16)
            idx = idx_v[sl]
            for j in range(_NL + 1):
                jrow = jnp.full((16,), j, jnp.int32)
                plsc.addupdate_scatter(acc, [jrow, idx], pv[j, sl])
            return carry

        lax.fori_loop(0, _SS // 16, body, 0)
        pltpu.sync_copy(acc, out_hbm.at[b, q])

    return k(probs_t, word_ids, zeros_hbm_arr)


def _tc2_body(*refs):
    s_refs = refs[:_CHUNK]
    lab_ref, avg_ref, loss_ref = refs[_CHUNK:]
    chunks = []
    for r in s_refs:
        part = r[...]
        acc = part[:, 0]
        for q in range(1, _QP):
            acc = acc + part[:, q]
        chunks.append(acc)
    data = jnp.concatenate(chunks, axis=0)
    cnt = data[:, _NL:_NL + 1, :]
    avg = data / jnp.maximum(cnt, 1.0)
    row = lax.broadcasted_iota(jnp.int32, avg.shape, 1)
    ml = jnp.where(row < _NL, avg, -1e30)
    m = jnp.max(ml, axis=1, keepdims=True)
    se = jnp.sum(jnp.exp(ml - m), axis=1, keepdims=True)
    lab = lab_ref[...]
    picked = jnp.sum(jnp.where(row == lab, avg, 0.0), axis=1, keepdims=True)
    nll = m + jnp.log(se) - picked
    avg_ref[...] = avg
    loss_ref[0, 0] = jnp.sum(nll) * (1.0 / (_B * _W))


def kernel(sent_logits, word_ids, labels, W_mlp):
    zeros_arr = jnp.zeros((_PAD, _W), jnp.float32)
    sums = []
    for ci in range(_CHUNK):
        probs_c = _tc1_call(sent_logits, W_mlp, ci)
        sums.append(_sc_seg_sum(probs_c, word_ids, zeros_arr, ci))

    avg, loss = pl.pallas_call(
        _tc2_body,
        in_specs=[
            pl.BlockSpec((_CB, _QP, _PAD, _W), lambda: (0, 0, 0, 0))
            for _ in range(_CHUNK)
        ] + [pl.BlockSpec((_B, 1, _W), lambda: (0, 0, 0))],
        out_specs=[
            pl.BlockSpec((_B, _PAD, _W), lambda: (0, 0, 0)),
            pl.BlockSpec((1, 1), lambda: (0, 0), memory_space=pltpu.SMEM),
        ],
        out_shape=[
            jax.ShapeDtypeStruct((_B, _PAD, _W), jnp.float32),
            jax.ShapeDtypeStruct((1, 1), jnp.float32),
        ],
    )(*sums, labels.reshape(_B, 1, _W))

    return jnp.swapaxes(avg[:, :_NL, :], 1, 2), loss[0, 0]

# --- scband reference (transcript-rebuilt; emitter-appended) ---
"""Pipeline reference for scband-probing-classifier-16595753632140 (READ-ONLY COPY).

The authoritative reference and input builder live on the scoring server;
editing this copy changes nothing except your own understanding.
"""

import jax, jax.numpy as jnp
import numpy as np

B, S, D = 16, 2048, 768
W_MAX = 1024
NUM_LABELS = 9


def setup_inputs(seed: int = 0) -> dict:
    key = jax.random.key(seed)
    k1, k2, k3, k4 = jax.random.split(key, 4)
    sent_logits = jax.random.normal(k1, (B, S, D), dtype=jnp.float32)
    # word_ids: for each token, the index of the word it belongs to (monotone
    # non-decreasing within a sentence). This replaces the BertTokenizer
    # '##' subword detection in the original code with precomputed segment ids.
    word_ids = jnp.sort(jax.random.randint(k2, (B, S), 0, W_MAX, dtype=jnp.int32), axis=-1)
    labels = jax.random.randint(k3, (B, W_MAX), 0, NUM_LABELS, dtype=jnp.int32)
    W_mlp = jax.random.normal(k4, (D, NUM_LABELS), dtype=jnp.float32) * 0.02
    return {"sent_logits": sent_logits, "word_ids": word_ids, "labels": labels, "W_mlp": W_mlp}


def reference(sent_logits, word_ids, labels, W_mlp):
    b, s, d = sent_logits.shape
    n_labels = W_mlp.shape[1]
    w_max = labels.shape[1]
    # logits = self.mlp(sent_logits)  (bias=False linear)
    logits = jnp.einsum('bsd,dl->bsl', sent_logits, W_mlp)
    # align_pred_to_word: softmax over label dim, then average subword-piece
    # probabilities within each word (segment-mean over word_ids)
    probs = jax.nn.softmax(logits, axis=-1)
    seg = (word_ids + jnp.arange(b, dtype=jnp.int32)[:, None] * w_max).reshape(-1)
    flat_probs = probs.reshape(b * s, n_labels)
    sums = jax.ops.segment_sum(flat_probs, seg, num_segments=b * w_max)
    counts = jax.ops.segment_sum(jnp.ones((b * s,), dtype=jnp.float32), seg, num_segments=b * w_max)
    avg = sums / jnp.maximum(counts, 1.0)[:, None]
    logits_aligned = avg.reshape(b, w_max, n_labels)
    # flatten batch*words and apply cross-entropy against flat labels
    pred_label_logits = logits_aligned.reshape(b * w_max, n_labels)
    flat_trgt_labels = labels.reshape(-1)
    logp = jax.nn.log_softmax(pred_label_logits, axis=-1)
    nll = -jnp.take_along_axis(logp, flat_trgt_labels[:, None].astype(jnp.int32), axis=1)[:, 0]
    loss = jnp.mean(nll)
    return logits_aligned, loss


if False:  # reference __main__ guard neutralized (emitter)
    out = reference(**setup_inputs())
    print(out[0].shape, out[1])

if __name__ == "__main__":
    import jax
    _d = setup_inputs()
    print(jax.jit(kernel)(*tuple(_d.values())))

</pallas_src>

<mosaic_0001>
#map = affine_map<(d0, d1) -> (0, 0, 0)>
#map1 = affine_map<(d0, d1) -> (0, 0)>
#map2 = affine_map<(d0, d1) -> (0, 0, 0, 0)>
module attributes {stable_mosaic.version = 14 : i64} {
  func.func @k(%arg0: i32, %arg1: i32, %arg2: memref<16x16x2048xf32, #tpu.memory_space<hbm>>, %arg3: memref<16x2048xi32, #tpu.memory_space<hbm>>, %arg4: memref<16x1024xf32, #tpu.memory_space<hbm>>, %arg5: memref<16x2x16x1024xf32, #tpu.memory_space<hbm>>, %arg6: memref<1024xi32, #tpu.memory_space<vmem>>, %arg7: memref<16x1024xf32, #tpu.memory_space<vmem>>, %arg8: memref<16x1024xf32, #tpu.memory_space<vmem>>, %arg9: memref<!tpu.dma_semaphore, #tpu.memory_space<semaphore_mem>>, %arg10: memref<!tpu.dma_semaphore, #tpu.memory_space<semaphore_mem>>, %arg11: memref<!tpu.dma_semaphore, #tpu.memory_space<semaphore_mem>>) attributes {dimension_semantics = [#tpu.dimension_semantics<core_parallel>, #tpu.dimension_semantics<subcore_parallel>], iteration_bounds = array<i64: 2, 16>, scalar_prefetch = 0 : i64, scratch_operands = 6 : i64, tpu.core_type = #tpu.core_type<sc_vector_subcore>, window_params = [{transform_indices = #map}, {transform_indices = #map1}, {transform_indices = #map1}, {transform_indices = #map2}]} {
    %mul3A = arith.constant 16 : i32
    %mul3A_0 = arith.muli %arg0, %mul3A : i32
    %add3A = arith.addi %mul3A_0, %arg1 : i32
    %jit3A = arith.constant 2 : i32
    %div3A = arith.divsi %add3A, %jit3A : i32
    %sign3A = arith.constant 0 : i32
    %sign3A_1 = arith.cmpi sgt, %add3A, %sign3A : i32
    %sign3A_2 = arith.extui %sign3A_1 : i1 to i32
    %sign3A_3 = arith.constant 0 : i32
    %sign3A_4 = arith.cmpi slt, %add3A, %sign3A_3 : i32
    %sign3A_5 = arith.extui %sign3A_4 : i1 to i32
    %sign3A_6 = arith.subi %sign3A_2, %sign3A_5 : i32
    %sign3A_7 = arith.constant 0 : i32
    %sign3A_8 = arith.cmpi sgt, %jit3A, %sign3A_7 : i32
    %sign3A_9 = arith.extui %sign3A_8 : i1 to i32
    %sign3A_10 = arith.constant 0 : i32
    %sign3A_11 = arith.cmpi slt, %jit3A, %sign3A_10 : i32
    %sign3A_12 = arith.extui %sign3A_11 : i1 to i32
    %sign3A_13 = arith.subi %sign3A_9, %sign3A_12 : i32
    %ne3A = arith.cmpi ne, %sign3A_6, %sign3A_13 : i32
    %rem3A = arith.remsi %add3A, %jit3A : i32
    %ne3A_14 = arith.constant 0 : i32
    %ne3A_15 = arith.cmpi ne, %rem3A, %ne3A_14 : i32
    %and3A = arith.andi %ne3A, %ne3A_15 : i1
    %sub3A = arith.constant 1 : i32
    %sub3A_16 = arith.subi %div3A, %sub3A : i32
    %select_n3A = arith.select %and3A, %sub3A_16, %div3A : i32
    %jit3A_17 = arith.constant 2 : i32
    %eq3A = arith.constant 0 : i32
    %eq3A_18 = arith.cmpi eq, %jit3A_17, %eq3A : i32
    %jit3A_19 = arith.constant 1 : i32
    %select_n3A_20 = arith.select %eq3A_18, %jit3A_19, %jit3A_17 : i32
    %rem3A_21 = arith.remsi %add3A, %select_n3A_20 : i32
    %ne3A_22 = arith.constant 0 : i32
    %ne3A_23 = arith.cmpi ne, %rem3A_21, %ne3A_22 : i32
    %lt3A = arith.constant 0 : i32
    %lt3A_24 = arith.cmpi slt, %rem3A_21, %lt3A : i32
    %lt3A_25 = arith.constant 0 : i32
    %lt3A_26 = arith.cmpi slt, %select_n3A_20, %lt3A_25 : i32
    %ne3A_27 = arith.xori %lt3A_24, %lt3A_26 : i1
    %and3A_28 = arith.andi %ne3A_27, %ne3A_23 : i1
    %add3A_29 = arith.addi %rem3A_21, %select_n3A_20 : i32
    %select_n3A_30 = arith.select %and3A_28, %add3A_29, %rem3A_21 : i32
    %add3A_31 = arith.constant 0 : i32
    %add3A_32 = arith.addi %add3A_31, %select_n3A : i32
    %mul3A_33 = arith.constant 1024 : i32
    %mul3A_34 = arith.muli %select_n3A_30, %mul3A_33 : i32
    %dma_start3A = tpu.memref_slice %arg3[%add3A_32, %mul3A_34] : memref<16x2048xi32, #tpu.memory_space<hbm>> -> memref<1x1024xi32, #tpu.memory_space<hbm>>
    %dma_start3A_35 = tpu.memref_squeeze %dma_start3A : memref<1x1024xi32, #tpu.memory_space<hbm>> -> memref<1024xi32, #tpu.memory_space<hbm>>
    %dma_start3A_36 = tpu.memref_slice %arg3[%add3A_32, %mul3A_34] : memref<16x2048xi32, #tpu.memory_space<hbm>> -> memref<1x1024xi32, #tpu.memory_space<hbm>>
    %dma_start3A_37 = tpu.memref_squeeze %dma_start3A_36 : memref<1x1024xi32, #tpu.memory_space<hbm>> -> memref<1024xi32, #tpu.memory_space<hbm>>
    tpu.enqueue_dma source(%dma_start3A_37 : memref<1024xi32, #tpu.memory_space<hbm>>) target(%arg6 : memref<1024xi32, #tpu.memory_space<vmem>>) target_semaphore(%arg9 : memref<!tpu.dma_semaphore, #tpu.memory_space<semaphore_mem>>)
    %mul3A_38 = arith.constant 1024 : i32
    %mul3A_39 = arith.muli %select_n3A_30, %mul3A_38 : i32
    %dma_start3A_40 = arith.constant 0 : i32
    %dma_start3A_41 = tpu.memref_slice %arg2[%select_n3A, %dma_start3A_40, %mul3A_39] : memref<16x16x2048xf32, #tpu.memory_space<hbm>> -> memref<1x16x1024xf32, #tpu.memory_space<hbm>>
    %dma_start3A_42 = tpu.memref_squeeze %dma_start3A_41 : memref<1x16x1024xf32, #tpu.memory_space<hbm>> -> memref<16x1024xf32, #tpu.memory_space<hbm>>
    %dma_start3A_43 = arith.constant 0 : i32
    %dma_start3A_44 = tpu.memref_slice %arg2[%select_n3A, %dma_start3A_43, %mul3A_39] : memref<16x16x2048xf32, #tpu.memory_space<hbm>> -> memref<1x16x1024xf32, #tpu.memory_space<hbm>>
    %dma_start3A_45 = tpu.memref_squeeze %dma_start3A_44 : memref<1x16x1024xf32, #tpu.memory_space<hbm>> -> memref<16x1024xf32, #tpu.memory_space<hbm>>
    tpu.enqueue_dma source(%dma_start3A_45 : memref<16x1024xf32, #tpu.memory_space<hbm>>) target(%arg7 : memref<16x1024xf32, #tpu.memory_space<vmem>>) target_semaphore(%arg10 : memref<!tpu.dma_semaphore, #tpu.memory_space<semaphore_mem>>)
    tpu.enqueue_dma source(%arg4 : memref<16x1024xf32, #tpu.memory_space<hbm>>) target(%arg8 : memref<16x1024xf32, #tpu.memory_space<vmem>>) target_semaphore(%arg11 : memref<!tpu.dma_semaphore, #tpu.memory_space<semaphore_mem>>)
    %dma_wait3A = tpu.memref_slice %arg3[%add3A_32, %mul3A_34] : memref<16x2048xi32, #tpu.memory_space<hbm>> -> memref<1x1024xi32, #tpu.memory_space<hbm>>
    %dma_wait3A_46 = tpu.memref_squeeze %dma_wait3A : memref<1x1024xi32, #tpu.memory_space<hbm>> -> memref<1024xi32, #tpu.memory_space<hbm>>
    %dma_wait3A_47 = tpu.memref_slice %arg3[%add3A_32, %mul3A_34] : memref<16x2048xi32, #tpu.memory_space<hbm>> -> memref<1x1024xi32, #tpu.memory_space<hbm>>
    %dma_wait3A_48 = tpu.memref_squeeze %dma_wait3A_47 : memref<1x1024xi32, #tpu.memory_space<hbm>> -> memref<1024xi32, #tpu.memory_space<hbm>>
    tpu.wait_dma2 semaphore(%arg9 : memref<!tpu.dma_semaphore, #tpu.memory_space<semaphore_mem>>) src(%dma_wait3A_48 : memref<1024xi32, #tpu.memory_space<hbm>>) dst(%arg6 : memref<1024xi32, #tpu.memory_space<vmem>>)
    %dma_wait3A_49 = arith.constant 0 : i32
    %dma_wait3A_50 = tpu.memref_slice %arg2[%select_n3A, %dma_wait3A_49, %mul3A_39] : memref<16x16x2048xf32, #tpu.memory_space<hbm>> -> memref<1x16x1024xf32, #tpu.memory_space<hbm>>
    %dma_wait3A_51 = tpu.memref_squeeze %dma_wait3A_50 : memref<1x16x1024xf32, #tpu.memory_space<hbm>> -> memref<16x1024xf32, #tpu.memory_space<hbm>>
    %dma_wait3A_52 = arith.constant 0 : i32
    %dma_wait3A_53 = tpu.memref_slice %arg2[%select_n3A, %dma_wait3A_52, %mul3A_39] : memref<16x16x2048xf32, #tpu.memory_space<hbm>> -> memref<1x16x1024xf32, #tpu.memory_space<hbm>>
    %dma_wait3A_54 = tpu.memref_squeeze %dma_wait3A_53 : memref<1x16x1024xf32, #tpu.memory_space<hbm>> -> memref<16x1024xf32, #tpu.memory_space<hbm>>
    tpu.wait_dma2 semaphore(%arg10 : memref<!tpu.dma_semaphore, #tpu.memory_space<semaphore_mem>>) src(%dma_wait3A_54 : memref<16x1024xf32, #tpu.memory_space<hbm>>) dst(%arg7 : memref<16x1024xf32, #tpu.memory_space<vmem>>)
    tpu.wait_dma2 semaphore(%arg11 : memref<!tpu.dma_semaphore, #tpu.memory_space<semaphore_mem>>) src(%arg4 : memref<16x1024xf32, #tpu.memory_space<hbm>>) dst(%arg8 : memref<16x1024xf32, #tpu.memory_space<vmem>>)
    %scan3A = arith.constant 0 : i32
    %scan3A_55 = arith.constant 0 : i32
    %scan3A_56 = arith.constant 64 : i32
    %scan3A_57 = arith.addi %scan3A_55, %scan3A_56 : i32
    %scan3A_58 = arith.constant 1 : i32
    scf.for %scan3A_60 = %scan3A_55 to %scan3A_57 step %scan3A_58  : i32 {
      %mul3A_61 = arith.constant 16 : i32
      %mul3A_62 = arith.muli %scan3A_60, %mul3A_61 : i32
      %get3A = arith.index_cast %mul3A_62 : i32 to index
      %get3A_63 = tpu.vector_load %arg6[%get3A] {strides = array<i32>} : memref<1024xi32, #tpu.memory_space<vmem>>, vector<16xi32>,
      %broadcast_in_dim3A = arith.constant 0 : i32
      %broadcast_in_dim3A_64 = vector.broadcast %broadcast_in_dim3A : i32 to vector<16xi32>
      %get3A_65 = arith.constant 0 : i32
      %get3A_66 = arith.index_cast %get3A_65 : i32 to index
      %get3A_67 = arith.index_cast %mul3A_62 : i32 to index
      %get3A_68 = tpu.vector_load %arg7[%get3A_66, %get3A_67] {strides = array<i32>} : memref<16x1024xf32, #tpu.memory_space<vmem>>, vector<16xf32>,
      tpu.vector_store_idx %arg8[%broadcast_in_dim3A_64, %get3A_63], %get3A_68 {add = true} : memref<16x1024xf32, #tpu.memory_space<vmem>>[vector<16xi32>, vector<16xi32>], vector<16xf32>,
      %broadcast_in_dim3A_69 = arith.constant 1 : i32
      %broadcast_in_dim3A_70 = vector.broadcast %broadcast_in_dim3A_69 : i32 to vector<16xi32>
      %get3A_71 = arith.constant 1 : i32
      %get3A_72 = arith.index_cast %get3A_71 : i32 to index
      %get3A_73 = arith.index_cast %mul3A_62 : i32 to index
      %get3A_74 = tpu.vector_load %arg7[%get3A_72, %get3A_73] {strides = array<i32>} : memref<16x1024xf32, #tpu.memory_space<vmem>>, vector<16xf32>,
      tpu.vector_store_idx %arg8[%broadcast_in_dim3A_70, %get3A_63], %get3A_74 {add = true} : memref<16x1024xf32, #tpu.memory_space<vmem>>[vector<16xi32>, vector<16xi32>], vector<16xf32>,
      %broadcast_in_dim3A_75 = arith.constant 2 : i32
      %broadcast_in_dim3A_76 = vector.broadcast %broadcast_in_dim3A_75 : i32 to vector<16xi32>
      %get3A_77 = arith.constant 2 : i32
      %get3A_78 = arith.index_cast %get3A_77 : i32 to index
      %get3A_79 = arith.index_cast %mul3A_62 : i32 to index
      %get3A_80 = tpu.vector_load %arg7[%get3A_78, %get3A_79] {strides = array<i32>} : memref<16x1024xf32, #tpu.memory_space<vmem>>, vector<16xf32>,
      tpu.vector_store_idx %arg8[%broadcast_in_dim3A_76, %get3A_63], %get3A_80 {add = true} : memref<16x1024xf32, #tpu.memory_space<vmem>>[vector<16xi32>, vector<16xi32>], vector<16xf32>,
      %broadcast_in_dim3A_81 = arith.constant 3 : i32
      %broadcast_in_dim3A_82 = vector.broadcast %broadcast_in_dim3A_81 : i32 to vector<16xi32>
      %get3A_83 = arith.constant 3 : i32
      %get3A_84 = arith.index_cast %get3A_83 : i32 to index
      %get3A_85 = arith.index_cast %mul3A_62 : i32 to index
      %get3A_86 = tpu.vector_load %arg7[%get3A_84, %get3A_85] {strides = array<i32>} : memref<16x1024xf32, #tpu.memory_space<vmem>>, vector<16xf32>,
      tpu.vector_store_idx %arg8[%broadcast_in_dim3A_82, %get3A_63], %get3A_86 {add = true} : memref<16x1024xf32, #tpu.memory_space<vmem>>[vector<16xi32>, vector<16xi32>], vector<16xf32>,
      %broadcast_in_dim3A_87 = arith.constant 4 : i32
      %broadcast_in_dim3A_88 = vector.broadcast %broadcast_in_dim3A_87 : i32 to vector<16xi32>
      %get3A_89 = arith.constant 4 : i32
      %get3A_90 = arith.index_cast %get3A_89 : i32 to index
      %get3A_91 = arith.index_cast %mul3A_62 : i32 to index
      %get3A_92 = tpu.vector_load %arg7[%get3A_90, %get3A_91] {strides = array<i32>} : memref<16x1024xf32, #tpu.memory_space<vmem>>, vector<16xf32>,
      tpu.vector_store_idx %arg8[%broadcast_in_dim3A_88, %get3A_63], %get3A_92 {add = true} : memref<16x1024xf32, #tpu.memory_space<vmem>>[vector<16xi32>, vector<16xi32>], vector<16xf32>,
      %broadcast_in_dim3A_93 = arith.constant 5 : i32
      %broadcast_in_dim3A_94 = vector.broadcast %broadcast_in_dim3A_93 : i32 to vector<16xi32>
      %get3A_95 = arith.constant 5 : i32
      %get3A_96 = arith.index_cast %get3A_95 : i32 to index
      %get3A_97 = arith.index_cast %mul3A_62 : i32 to index
      %get3A_98 = tpu.vector_load %arg7[%get3A_96, %get3A_97] {strides = array<i32>} : memref<16x1024xf32, #tpu.memory_space<vmem>>, vector<16xf32>,
      tpu.vector_store_idx %arg8[%broadcast_in_dim3A_94, %get3A_63], %get3A_98 {add = true} : memref<16x1024xf32, #tpu.memory_space<vmem>>[vector<16xi32>, vector<16xi32>], vector<16xf32>,
      %broadcast_in_dim3A_99 = arith.constant 6 : i32
      %broadcast_in_dim3A_100 = vector.broadcast %broadcast_in_dim3A_99 : i32 to vector<16xi32>
      %get3A_101 = arith.constant 6 : i32
      %get3A_102 = arith.index_cast %get3A_101 : i32 to index
      %get3A_103 = arith.index_cast %mul3A_62 : i32 to index
      %get3A_104 = tpu.vector_load %arg7[%get3A_102, %get3A_103] {strides = array<i32>} : memref<16x1024xf32, #tpu.memory_space<vmem>>, vector<16xf32>,
      tpu.vector_store_idx %arg8[%broadcast_in_dim3A_100, %get3A_63], %get3A_104 {add = true} : memref<16x1024xf32, #tpu.memory_space<vmem>>[vector<16xi32>, vector<16xi32>], vector<16xf32>,
      %broadcast_in_dim3A_105 = arith.constant 7 : i32
      %broadcast_in_dim3A_106 = vector.broadcast %broadcast_in_dim3A_105 : i32 to vector<16xi32>
      %get3A_107 = arith.constant 7 : i32
      %get3A_108 = arith.index_cast %get3A_107 : i32 to index
      %get3A_109 = arith.index_cast %mul3A_62 : i32 to index
      %get3A_110 = tpu.vector_load %arg7[%get3A_108, %get3A_109] {strides = array<i32>} : memref<16x1024xf32, #tpu.memory_space<vmem>>, vector<16xf32>,
      tpu.vector_store_idx %arg8[%broadcast_in_dim3A_106, %get3A_63], %get3A_110 {add = true} : memref<16x1024xf32, #tpu.memory_space<vmem>>[vector<16xi32>, vector<16xi32>], vector<16xf32>,
      %broadcast_in_dim3A_111 = arith.constant 8 : i32
      %broadcast_in_dim3A_112 = vector.broadcast %broadcast_in_dim3A_111 : i32 to vector<16xi32>
      %get3A_113 = arith.constant 8 : i32
      %get3A_114 = arith.index_cast %get3A_113 : i32 to index
      %get3A_115 = arith.index_cast %mul3A_62 : i32 to index
      %get3A_116 = tpu.vector_load %arg7[%get3A_114, %get3A_115] {strides = array<i32>} : memref<16x1024xf32, #tpu.memory_space<vmem>>, vector<16xf32>,
      tpu.vector_store_idx %arg8[%broadcast_in_dim3A_112, %get3A_63], %get3A_116 {add = true} : memref<16x1024xf32, #tpu.memory_space<vmem>>[vector<16xi32>, vector<16xi32>], vector<16xf32>,
      %broadcast_in_dim3A_117 = arith.constant 9 : i32
      %broadcast_in_dim3A_118 = vector.broadcast %broadcast_in_dim3A_117 : i32 to vector<16xi32>
      %get3A_119 = arith.constant 9 : i32
      %get3A_120 = arith.index_cast %get3A_119 : i32 to index
      %get3A_121 = arith.index_cast %mul3A_62 : i32 to index
      %get3A_122 = tpu.vector_load %arg7[%get3A_120, %get3A_121] {strides = array<i32>} : memref<16x1024xf32, #tpu.memory_space<vmem>>, vector<16xf32>,
      tpu.vector_store_idx %arg8[%broadcast_in_dim3A_118, %get3A_63], %get3A_122 {add = true} : memref<16x1024xf32, #tpu.memory_space<vmem>>[vector<16xi32>, vector<16xi32>], vector<16xf32>,
    }
    %scan3A_59 = arith.constant 64 : i32
    "tpu.region"() ({
      %run_scoped3A = tpu.sem_alloc : memref<!tpu.dma_semaphore, #tpu.memory_space<semaphore_mem>>
      %dma_start3A_60 = arith.constant 0 : i32
      %dma_start3A_61 = arith.constant 0 : i32
      %dma_start3A_62 = tpu.memref_slice %arg5[%select_n3A, %select_n3A_30, %dma_start3A_60, %dma_start3A_61] : memref<16x2x16x1024xf32, #tpu.memory_space<hbm>> -> memref<1x1x16x1024xf32, #tpu.memory_space<hbm>>
      %dma_start3A_63 = tpu.memref_squeeze %dma_start3A_62 : memref<1x1x16x1024xf32, #tpu.memory_space<hbm>> -> memref<16x1024xf32, #tpu.memory_space<hbm>>
      %dma_start3A_64 = arith.constant 0 : i32
      %dma_start3A_65 = arith.constant 0 : i32
      %dma_start3A_66 = tpu.memref_slice %arg5[%select_n3A, %select_n3A_30, %dma_start3A_64, %dma_start3A_65] : memref<16x2x16x1024xf32, #tpu.memory_space<hbm>> -> memref<1x1x16x1024xf32, #tpu.memory_space<hbm>>
      %dma_start3A_67 = tpu.memref_squeeze %dma_start3A_66 : memref<1x1x16x1024xf32, #tpu.memory_space<hbm>> -> memref<16x1024xf32, #tpu.memory_space<hbm>>
      tpu.enqueue_dma source(%arg8 : memref<16x1024xf32, #tpu.memory_space<vmem>>) target(%dma_start3A_67 : memref<16x1024xf32, #tpu.memory_space<hbm>>) target_semaphore(%run_scoped3A : memref<!tpu.dma_semaphore, #tpu.memory_space<semaphore_mem>>)
      %dma_wait3A_68 = arith.constant 0 : i32
      %dma_wait3A_69 = arith.constant 0 : i32
      %dma_wait3A_70 = tpu.memref_slice %arg5[%select_n3A, %select_n3A_30, %dma_wait3A_68, %dma_wait3A_69] : memref<16x2x16x1024xf32, #tpu.memory_space<hbm>> -> memref<1x1x16x1024xf32, #tpu.memory_space<hbm>>
      %dma_wait3A_71 = tpu.memref_squeeze %dma_wait3A_70 : memref<1x1x16x1024xf32, #tpu.memory_space<hbm>> -> memref<16x1024xf32, #tpu.memory_space<hbm>>
      %dma_wait3A_72 = arith.constant 0 : i32
      %dma_wait3A_73 = arith.constant 0 : i32
      %dma_wait3A_74 = tpu.memref_slice %arg5[%select_n3A, %select_n3A_30, %dma_wait3A_72, %dma_wait3A_73] : memref<16x2x16x1024xf32, #tpu.memory_space<hbm>> -> memref<1x1x16x1024xf32, #tpu.memory_space<hbm>>
      %dma_wait3A_75 = tpu.memref_squeeze %dma_wait3A_74 : memref<1x1x16x1024xf32, #tpu.memory_space<hbm>> -> memref<16x1024xf32, #tpu.memory_space<hbm>>
      tpu.wait_dma2 semaphore(%run_scoped3A : memref<!tpu.dma_semaphore, #tpu.memory_space<semaphore_mem>>) src(%arg8 : memref<16x1024xf32, #tpu.memory_space<vmem>>) dst(%dma_wait3A_75 : memref<16x1024xf32, #tpu.memory_space<hbm>>)
      tpu.yield
    }) : () -> ()
    return
  }
}

module attributes {stable_mosaic.version = 14 : i64} {
  func.func @_tc1_body(%arg0: i32, %arg1: memref<2x2048x768xf32, #tpu.memory_space<vmem>>, %arg2: memref<768x9xf32, #tpu.memory_space<vmem>>, %arg3: memref<2x16x2048xf32, #tpu.memory_space<vmem>>) attributes {dimension_semantics = [#tpu.dimension_semantics<arbitrary>], iteration_bounds = array<i64: 8>, scalar_prefetch = 0 : i64, scratch_operands = 0 : i64, tpu.core_type = #tpu.core_type<tc>, window_params = [{transform_indices = @transform_0, window_bounds = array<i64: 2, 2048, 768>}, {pipeline_mode = #tpu.pipeline_mode<synchronous>, transform_indices = @transform_1, window_bounds = array<i64: 768, 9>}, {transform_indices = @transform_2, window_bounds = array<i64: 2, 16, 2048>}]} {
    %get3A = arith.constant 0 : index
    %get3A_0 = arith.constant 0 : index
    %get3A_1 = arith.constant 0 : index
    %get3A_2 = vector.load %arg1[%get3A, %get3A_0, %get3A_1] : memref<2x2048x768xf32, #tpu.memory_space<vmem>>, vector<2x2048x768xf32>
    %reshape3A = vector.shape_cast %get3A_2 : vector<2x2048x768xf32> to vector<4096x768xf32>
    %get3A_3 = arith.constant 0 : index
    %get3A_4 = arith.constant 0 : index
    %get3A_5 = vector.load %arg2[%get3A_3, %get3A_4] : memref<768x9xf32, #tpu.memory_space<vmem>>, vector<768x9xf32>
    %dot_general3A = arith.constant dense<0.000000e+00> : vector<4096x9xf32>
    %dot_general3A_6 = tpu.matmul %reshape3A, %get3A_5, %dot_general3A {dimension_numbers = #tpu.dot_dimension_numbers<[1], [0], [0], [1], [0, 0, 1, 1], [], []>, transpose_lhs_hint = false} : vector<4096x768xf32>, vector<768x9xf32>, vector<4096x9xf32> -> vector<4096x9xf32>
    %reduce_max3A = arith.constant dense<0xFF800000> : vector<4096xf32>
    %reduce_max3A_7 = vector.multi_reduction <maximumf>, %dot_general3A_6, %reduce_max3A [1] : vector<4096x9xf32> to vector<4096xf32>
    %broadcast_in_dim3A = vector.shape_cast %reduce_max3A_7 : vector<4096xf32> to vector<4096x1xf32>
    %sub3A = vector.broadcast %broadcast_in_dim3A : vector<4096x1xf32> to vector<4096x9xf32>
    %sub3A_8 = arith.subf %dot_general3A_6, %sub3A : vector<4096x9xf32>
    %exp3A = math.exp %sub3A_8 : vector<4096x9xf32>
    %reduce_sum3A = arith.constant dense<0.000000e+00> : vector<4096xf32>
    %reduce_sum3A_9 = vector.multi_reduction <add>, %exp3A, %reduce_sum3A [1] : vector<4096x9xf32> to vector<4096xf32>
    %broadcast_in_dim3A_10 = vector.shape_cast %reduce_sum3A_9 : vector<4096xf32> to vector<4096x1xf32>
    %div3A = vector.broadcast %broadcast_in_dim3A_10 : vector<4096x1xf32> to vector<4096x9xf32>
    %div3A_11 = arith.divf %exp3A, %div3A : vector<4096x9xf32>
    %broadcast_in_dim3A_12 = arith.constant 1.000000e+00 : f32
    %broadcast_in_dim3A_13 = vector.broadcast %broadcast_in_dim3A_12 : f32 to vector<4096x1xf32>
    %broadcast_in_dim3A_14 = arith.constant 0.000000e+00 : f32
    %broadcast_in_dim3A_15 = vector.broadcast %broadcast_in_dim3A_14 : f32 to vector<4096x6xf32>
    %concatenate3A = tpu.concatenate %div3A_11, %broadcast_in_dim3A_13, %broadcast_in_dim3A_15 in 1 : vector<4096x9xf32>, vector<4096x1xf32>, vector<4096x6xf32> -> vector<4096x16xf32>
    %reshape3A_16 = vector.shape_cast %concatenate3A : vector<4096x16xf32> to vector<2x2048x16xf32>
    %transpose3A = tpu.transpose %reshape3A_16, [0, 2, 1] : vector<2x2048x16xf32> -> vector<2x16x2048xf32>
    %swap3A = arith.constant 0 : index
    %swap3A_17 = arith.constant 0 : index
    %swap3A_18 = arith.constant 0 : index
    %swap3A_19 = vector.load %arg3[%swap3A, %swap3A_17, %swap3A_18] : memref<2x16x2048xf32, #tpu.memory_space<vmem>>, vector<2x16x2048xf32>
    tpu.vector_store %arg3[%swap3A, %swap3A_17, %swap3A_18], %transpose3A {strides = array<i32>} : memref<2x16x2048xf32, #tpu.memory_space<vmem>>, vector<2x16x2048xf32>,
    return
  }
  func.func @transform_0(%arg0: i32) -> (i32, i32, i32) {
    %add3A = arith.constant 0 : i32
    %add3A_0 = arith.addi %add3A, %arg0 : i32
    %c0_i32 = arith.constant 0 : i32
    %c0_i32_1 = arith.constant 0 : i32
    %c0_i32_2 = arith.constant 0 : i32
    return %add3A_0, %c0_i32, %c0_i32_1 : i32, i32, i32
  }
  func.func @transform_1(%arg0: i32) -> (i32, i32) {
    %c0_i32 = arith.constant 0 : i32
    %c0_i32_0 = arith.constant 0 : i32
    %c0_i32_1 = arith.constant 0 : i32
    return %c0_i32, %c0_i32_0 : i32, i32
  }
  func.func @transform_2(%arg0: i32) -> (i32, i32, i32) {
    %c0_i32 = arith.constant 0 : i32
    %c0_i32_0 = arith.constant 0 : i32
    %c0_i32_1 = arith.constant 0 : i32
    return %arg0, %c0_i32, %c0_i32_0 : i32, i32, i32
  }
}

module attributes {stable_mosaic.version = 14 : i64} {
  func.func @_tc2_body(%arg0: memref<16x2x16x1024xf32, #tpu.memory_space<vmem>>, %arg1: memref<16x1x1024xi32, #tpu.memory_space<vmem>>, %arg2: memref<16x16x1024xf32, #tpu.memory_space<vmem>>, %arg3: memref<1x1xf32, #tpu.memory_space<smem>>) attributes {dimension_semantics = [], scalar_prefetch = 0 : i64, scratch_operands = 0 : i64, tpu.core_type = #tpu.core_type<tc>} {
    %get3A = arith.constant 0 : index
    %get3A_0 = arith.constant 0 : index
    %get3A_1 = arith.constant 0 : index
    %get3A_2 = arith.constant 0 : index
    %get3A_3 = vector.load %arg0[%get3A, %get3A_0, %get3A_1, %get3A_2] : memref<16x2x16x1024xf32, #tpu.memory_space<vmem>>, vector<16x2x16x1024xf32>
    %slice3A = vector.extract_strided_slice %get3A_3 {offsets = [0, 0, 0, 0], sizes = [16, 1, 16, 1024], strides = [1, 1, 1, 1]} : vector<16x2x16x1024xf32> to vector<16x1x16x1024xf32>
    %squeeze3A = vector.shape_cast %slice3A : vector<16x1x16x1024xf32> to vector<16x16x1024xf32>
    %slice3A_4 = vector.extract_strided_slice %get3A_3 {offsets = [0, 1, 0, 0], sizes = [16, 1, 16, 1024], strides = [1, 1, 1, 1]} : vector<16x2x16x1024xf32> to vector<16x1x16x1024xf32>
    %squeeze3A_5 = vector.shape_cast %slice3A_4 : vector<16x1x16x1024xf32> to vector<16x16x1024xf32>
    %add3A = arith.addf %squeeze3A, %squeeze3A_5 : vector<16x16x1024xf32>
    %slice3A_6 = vector.extract_strided_slice %add3A {offsets = [0, 9, 0], sizes = [16, 1, 1024], strides = [1, 1, 1]} : vector<16x16x1024xf32> to vector<16x1x1024xf32>
    %max3A = arith.constant 1.000000e+00 : f32
    %max3A_7 = vector.broadcast %max3A : f32 to vector<16x1x1024xf32>
    %max3A_8 = arith.maximumf %slice3A_6, %max3A_7 : vector<16x1x1024xf32>
    %div3A = vector.broadcast %max3A_8 : vector<16x1x1024xf32> to vector<16x16x1024xf32>
    %div3A_9 = arith.divf %add3A, %div3A : vector<16x16x1024xf32>
    %iota3A = tpu.iota {dimensions = array<i32: 1>} : vector<16x16x1024xi32>
    %lt3A = arith.constant 9 : i32
    %lt3A_10 = vector.broadcast %lt3A : i32 to vector<16x16x1024xi32>
    %lt3A_11 = arith.cmpi slt, %iota3A, %lt3A_10 : vector<16x16x1024xi32>
    %jit3A = arith.constant -1.000000e+30 : f32
    %broadcast_in_dim3A = vector.broadcast %jit3A : f32 to vector<16x16x1024xf32>
    %select_n3A = arith.select %lt3A_11, %div3A_9, %broadcast_in_dim3A : vector<16x16x1024xi1>, vector<16x16x1024xf32>
    %reduce_max3A = arith.constant dense<0xFF800000> : vector<16x1024xf32>
    %reduce_max3A_12 = vector.multi_reduction <maximumf>, %select_n3A, %reduce_max3A [1] : vector<16x16x1024xf32> to vector<16x1024xf32>
    %broadcast_in_dim3A_13 = vector.shape_cast %reduce_max3A_12 : vector<16x1024xf32> to vector<16x1x1024xf32>
    %sub3A = vector.broadcast %broadcast_in_dim3A_13 : vector<16x1x1024xf32> to vector<16x16x1024xf32>
    %sub3A_14 = arith.subf %select_n3A, %sub3A : vector<16x16x1024xf32>
    %exp3A = math.exp %sub3A_14 : vector<16x16x1024xf32>
    %reduce_sum3A = arith.constant dense<0.000000e+00> : vector<16x1024xf32>
    %reduce_sum3A_15 = vector.multi_reduction <add>, %exp3A, %reduce_sum3A [1] : vector<16x16x1024xf32> to vector<16x1024xf32>
    %broadcast_in_dim3A_16 = vector.shape_cast %reduce_sum3A_15 : vector<16x1024xf32> to vector<16x1x1024xf32>
    %get3A_17 = arith.constant 0 : index
    %get3A_18 = arith.constant 0 : index
    %get3A_19 = arith.constant 0 : index
    %get3A_20 = vector.load %arg1[%get3A_17, %get3A_18, %get3A_19] : memref<16x1x1024xi32, #tpu.memory_space<vmem>>, vector<16x1x1024xi32>
    %eq3A = vector.broadcast %get3A_20 : vector<16x1x1024xi32> to vector<16x16x1024xi32>
    %eq3A_21 = arith.cmpi eq, %iota3A, %eq3A : vector<16x16x1024xi32>
    %jit3A_22 = arith.constant 0.000000e+00 : f32
    %broadcast_in_dim3A_23 = vector.broadcast %jit3A_22 : f32 to vector<16x16x1024xf32>
    %select_n3A_24 = arith.select %eq3A_21, %div3A_9, %broadcast_in_dim3A_23 : vector<16x16x1024xi1>, vector<16x16x1024xf32>
    %reduce_sum3A_25 = arith.constant dense<0.000000e+00> : vector<16x1024xf32>
    %reduce_sum3A_26 = vector.multi_reduction <add>, %select_n3A_24, %reduce_sum3A_25 [1] : vector<16x16x1024xf32> to vector<16x1024xf32>
    %broadcast_in_dim3A_27 = vector.shape_cast %reduce_sum3A_26 : vector<16x1024xf32> to vector<16x1x1024xf32>
    %log3A = math.log %broadcast_in_dim3A_16 : vector<16x1x1024xf32>
    %add3A_28 = arith.addf %broadcast_in_dim3A_13, %log3A : vector<16x1x1024xf32>
    %sub3A_29 = arith.subf %add3A_28, %broadcast_in_dim3A_27 : vector<16x1x1024xf32>
    %swap3A = arith.constant 0 : index
    %swap3A_30 = arith.constant 0 : index
    %swap3A_31 = arith.constant 0 : index
    %swap3A_32 = vector.load %arg2[%swap3A, %swap3A_30, %swap3A_31] : memref<16x16x1024xf32, #tpu.memory_space<vmem>>, vector<16x16x1024xf32>
    tpu.vector_store %arg2[%swap3A, %swap3A_30, %swap3A_31], %div3A_9 {strides = array<i32>} : memref<16x16x1024xf32, #tpu.memory_space<vmem>>, vector<16x16x1024xf32>,
    %reduce_sum3A_33 = vector.shape_cast %sub3A_29 : vector<16x1x1024xf32> to vector<1x16x1x1024xf32>
    %reduce_sum3A_34 = arith.constant dense<0.000000e+00> : vector<1xf32>
    %reduce_sum3A_35 = vector.multi_reduction <add>, %reduce_sum3A_33, %reduce_sum3A_34 [1, 2, 3] : vector<1x16x1x1024xf32> to vector<1xf32>
    %reduce_sum3A_36 = vector.shape_cast %reduce_sum3A_35 : vector<1xf32> to vector<1x1x1x1xf32>
    %reduce_sum3A_37 = vector.extract %reduce_sum3A_36[0, 0, 0, 0] : f32 from vector<1x1x1x1xf32>
    %mul3A = arith.constant 6.10351563E-5 : f32
    %mul3A_38 = arith.mulf %reduce_sum3A_37, %mul3A : f32
    %swap3A_39 = arith.constant 0 : index
    %swap3A_40 = arith.constant 0 : index
    %swap3A_41 = memref.load %arg3[%swap3A_39, %swap3A_40] : memref<1x1xf32, #tpu.memory_space<smem>>
    memref.store %mul3A_38, %arg3[%swap3A_39, %swap3A_40] : memref<1x1xf32, #tpu.memory_space<smem>>
    return
  }
}

</mosaic_0001>

<sc_bundles>
// kernel: kernel.5.cloned.1.call-start
scs
__scs_entry_jumppad:
0x0: {  	(pc) =	sbr.rel $0x88, $3  }
0x1: {  	(tag) =	ssettag $0x0;
	lr =	simm.s32 $0x1  }
0x2: {  	[smem:$0x3F9D] =	sst lr;
	_ =	strace $0xD0000000  }
0x3: {  	_ = 	snop  }
0x4: {  	_ = 	snop  }
0x5: {  	_ = 	snop  }
0x6: {  	_ = 	snop  }
0x7: {  	_ = 	snop  }
__scs_overlays_trampoline_lowered:
0x8: {  	[smem:$0x3FAC] =	sst s0  }
0x9: {  	[smem:$0x3FAD] =	sst s1  }
0xa: {  	[smem:$0x3FAE] =	sst s2  }
0xb: {  	[smem:$0x3FAF] =	sst s3  }
0xc: {  	[smem:$0x3FB0] =	sst s4  }
0xd: {  	[smem:$0x3FB1] =	sst s5  }
0xe: {  	[smem:$0x3FB2] =	sst s6  }
0xf: {  	[smem:$0x3FB3] =	sst s7  }
0x10: {  	[smem:$0x3FB4] =	sst s8  }
0x11: {  	[smem:$0x3FB5] =	sst s9;
	s0 =	simm.s32 @!p0 $0x0  }
0x12: {  	s1 =	sld [smem:$0x3F9B];
	s0 =	simm.s32 @p0 $0x1  }
0x13: {  	[smem:$0x3FB6] =	sst s0;
	s0 =	simm.s32 @!p1 $0x0  }
0x14: {  	s2 =	sld [smem:$0x3F9A];
	s0 =	simm.s32 @p1 $0x1  }
0x15: {  	[smem:$0x3FB7] =	sst s0;
	s0 =	simm.s32 @!p2 $0x0  }
0x16: {  	s3 =	sld [smem:$0x3FDB];
	s0 =	simm.s32 @p2 $0x1  }
0x17: {  	s4 =	simm.s32 $0x1BF5;
	[smem:$0x3FB9] =	sst s0  }
0x18: {  	s0 =	sld [smem:$0x3F9C];
	_ =	swait.ge [sflag:s4], $0x0  }
0x19: {  	s7 =	sld [smem:$0x3F9D]  }
0x1a: {  	s8 =	sadd.s32 $0xFFFFE003, lr  }
0x1b: {  	s9 =	sadd.s32 $0xFFFFFEF7, lr;
	s5 =	simm.s32 $0xFFFFFFFF;
	p2 =	slt.u32 s8, $0xFFFFF086  }
0x1c: {  	p1 =	slt.u32 s9, $0xF7A;
	s5 =	simm.s32 @!p2 $0x0  }
0x1d: {  	s5 =	simm.s32 @p1 $0x1;
	p0 =	seq.s32 s7, s2  }
0x1e: {  	s7 =	smul.u32 @!p0 $0xF7A, s2;
	p2 =	seq.s32 @!p0 s5, $0x0  }
0x1f: {  	s9 =	smul.u32 $0xF7A, s1;
	s8 =	simm.s32 @!p0 $0x1BF5;
	p2 =	por !p2, p0  }
0x20: {  	[sflag:s8] =	ssyncset.s32 @!p0 $0xFFFFF086;
	s6 =	sadd.s32 @!p0 s3, s7;
	s7 =	simm.s32 @!p0 $0x108  }
0x21: {  	s3 =	sadd.s32 s3, s9;
	s6 =	sadd.s32 @!p0 $0x88, s6;
	s7 =	simm.s32 @p2 $0x1082  }
0x22: {  	[simem:s7], [sflag:s8] =	dma.local @!p0 [hbm:s6], $0xF7A  }
0x23: {  	s9 =	sor.u32 $0xD0000000, s2;
	s6 =	simm.s32 $0x108;
	_ =	swait.ge @!p0 [sflag:s8], $0x0  }
0x24: {  	s3 =	sadd.s32 $0x88, s3;
	s6 =	simm.s32 @!p1 $0x1082;
	[sflag:s4] =	ssyncset.s32 $0xFFFFF086  }
0x25: {  	[simem:s6], [sflag:s4] =	dma.local [hbm:s3], $0xF7A  }
0x26: {  	[smem:$0x3F9D] =	sst s1;
	(tag) =	ssettag s2;
	_ =	strace s9  }
0x27: {  	s1 =	sld [smem:$0x3FAD]  }
0x28: {  	s2 =	sld [smem:$0x3FAE]  }
0x29: {  	s4 =	sld [smem:$0x3FB0]  }
0x2a: {  	p0 =	seq.s32 s5, $0x0;
	s5 =	sld [smem:$0x3FB1]  }
0x2b: {  	s6 =	sld [smem:$0x3FB2]  }
0x2c: {  	s7 =	sld [smem:$0x3FB3]  }
0x2d: {  	s3 =	simm.s32 $0x108;
	s8 =	sld [smem:$0x3FB4]  }
0x2e: {  	s3 =	simm.s32 @!p0 $0x1082;
	s9 =	sld [smem:$0x3FB5]  }
0x2f: {  	lr =	sadd.s32 s0, s3;
	s0 =	sld [smem:$0x3FAC]  }
0x30: {  	s3 =	sld [smem:$0x3FAF]  }
0x31: {  	[smem:$0x3FB8] =	sst s10  }
0x32: {  	s10 =	sld [smem:$0x3FB6];
	_ =	sdelay $0x3  }
0x33: {  	p0 =	seq.s32 s10, $0x1;
	s10 =	sld [smem:$0x3FB8];
	_ =	sdelay $0x3  }
0x34: {  	[smem:$0x3FB8] =	sst s10  }
0x35: {  	s10 =	sld [smem:$0x3FB7];
	_ =	sdelay $0x3  }
0x36: {  	p1 =	seq.s32 s10, $0x1;
	s10 =	sld [smem:$0x3FB8];
	_ =	sdelay $0x3  }
0x37: {  	[smem:$0x3FB8] =	sst s10  }
0x38: {  	s10 =	sld [smem:$0x3FB9]  }
0x39: {  	_ = 	snop;
	(pc) =	sbr.ind lr, $3  }
0x3a: {  	_ = 	snop  }
0x3b: {  	_ = 	snop  }
0x3c: {  	p2 =	seq.s32 s10, $0x1;
	s10 =	sld [smem:$0x3FB8]  }
0x3d: {  	_ =	shalt  }
0x3e: {  	_ =	shalt  }
0x3f: {  	_ =	shalt  }
0x40: {  	_ =	shalt  }
0x41: {  	_ =	shalt  }
0x42: {  	_ =	shalt  }
0x43: {  	_ =	shalt  }
0x44: {  	_ =	shalt  }
0x45: {  	_ =	shalt  }
0x46: {  	_ =	shalt  }
0x47: {  	_ =	shalt  }
0x48: {  	_ =	shalt  }
0x49: {  	_ =	shalt  }
0x4a: {  	_ =	shalt  }
0x4b: {  	_ =	shalt  }
0x4c: {  	_ =	shalt  }
0x4d: {  	_ =	shalt  }
0x4e: {  	_ =	shalt  }
0x4f: {  	_ =	shalt  }
0x50: {  	_ =	shalt  }
0x51: {  	_ =	shalt  }
0x52: {  	_ =	shalt  }
0x53: {  	_ =	shalt  }
0x54: {  	_ =	shalt  }
0x55: {  	_ =	shalt  }
0x56: {  	_ =	shalt  }
0x57: {  	_ =	shalt  }
0x58: {  	_ =	shalt  }
0x59: {  	_ =	shalt  }
0x5a: {  	_ =	shalt  }
0x5b: {  	_ =	shalt  }
0x5c: {  	_ =	shalt  }
0x5d: {  	_ =	shalt  }
0x5e: {  	_ =	shalt  }
0x5f: {  	_ =	shalt  }
0x60: {  	_ =	shalt  }
0x61: {  	_ =	shalt  }
0x62: {  	_ =	shalt  }
0x63: {  	_ =	shalt  }
0x64: {  	_ =	shalt  }
0x65: {  	_ =	shalt  }
0x66: {  	_ =	shalt  }
0x67: {  	_ =	shalt  }
0x68: {  	_ =	shalt  }
0x69: {  	_ =	shalt  }
0x6a: {  	_ =	shalt  }
0x6b: {  	_ =	shalt  }
0x6c: {  	_ =	shalt  }
0x6d: {  	_ =	shalt  }
0x6e: {  	_ =	shalt  }
0x6f: {  	_ =	shalt  }
0x70: {  	_ =	shalt  }
0x71: {  	_ =	shalt  }
0x72: {  	_ =	shalt  }
0x73: {  	_ =	shalt  }
0x74: {  	_ =	shalt  }
0x75: {  	_ =	shalt  }
0x76: {  	_ =	shalt  }
0x77: {  	_ =	shalt  }
0x78: {  	_ =	shalt  }
0x79: {  	_ =	shalt  }
0x7a: {  	_ =	shalt  }
0x7b: {  	_ =	shalt  }
0x7c: {  	_ =	shalt  }
0x7d: {  	_ =	shalt  }
0x7e: {  	_ =	shalt  }
0x7f: {  	_ =	shalt  }
0x80: {  	_ =	shalt  }
0x81: {  	_ =	shalt  }
0x82: {  	_ =	shalt  }
0x83: {  	_ =	shalt  }
0x84: {  	_ =	shalt  }
0x85: {  	_ =	shalt  }
0x86: {  	_ =	shalt  }
0x87: {  	_ =	shalt  }
.Lfunc_end0:
.L_simem_size_0:
called_computation_lowered:
.L_overlay_start_0:
0x88: {  	s2 =	sld [smem:$0x3FD9]  }
0x89: {  	s3 =	sld [smem:$0x3FFE];
	_ =	sdelay $0x1  }
0x8a: {  	s1 =	srdreg.scid  }
0x8b: {  	s0 =	sand.u32 $0x1, s1  }
0x8c: {  	s14 =	sshll.u32 s0, $0xA;
	s2 =	sadd.s32 s3, s2  }
0x8d: {  	s2 =	sadd.s32 s2, s14  }
0x8e: {  	[smem:$0x3FC4] =	sst s2  }
0x8f: {  	_ = 	snop  }
0x90: {  	s2 =	sld [smem:$0x3FD0];
	_ =	sdelay $0x2  }
0x91: {  	s4 =	simm.s32 $0xA;
	s5 =	simm.s32 $0x10;
	s15 =	sld [smem:$0x3FC8]  }
0x92: {  	[smem:s5], [sflag:s4] =	dma.local [hbm:s2], $0x1  }
0x93: {  	_ =	swait.eq [sflag:s4], $0x1  }
0x94: {  	[sflag:s4] =	ssyncset.done $0x0  }
0x95: {  	[sflag:s4] =	ssyncadd.s32 $0xFFFFFFFF  }
0x96: {  	s16 =	sld [smem:$0x10];
	(tm) =	ssettm $0x1  }
0x97: {  	s17 =	sld [smem:$0x3FFB];
	_ =	sdelay $0x3  }
0x98: {  	_ =	strace s17  }
0x99: {  	s4 =	sld [smem:$0x3FFC];
	_ =	sdelay $0x3  }
0x9a: {  	_ =	strace s4  }
0x9b: {  	s4 =	sld [smem:$0x3FFD];
	_ =	sdelay $0x3  }
0x9c: {  	_ =	strace s4  }
0x9d: {  	_ =	strace $0x8FFFFFFF  }
0x9e: {  	s18 =	sld [smem:$0x3FDB];
	_ =	sdelay $0x1  }
0x9f: {  	s19 =	simm.s32 $_scs_section_size  }
0xa0: {  	s6 =	simm.s32 $_size__tile_overlayer_lowered;
	s7 =	simm.s32 $_tile_overlayer_lowered  }
0xa1: {  	s22 =	simm.s32 $0x1BFF;
	s21 =	sshll.u32 s7, $0x1;
	s4 =	sadd.s32 s19, s18  }
0xa2: {  	s8 =	simm.s32 $0x0;
	s20 =	sshll.u32 s6, $0x1;
	s6 =	sadd.s32 s21, s4  }
0xa3: {  	[timem:s8], [sflag:s22] =	dma.local [hbm:s6], s20  }
0xa4: {  	_ =	swait.ge [sflag:s22], s20  }
0xa5: {  	s5 =	ssub.s32 $0x0, s20;
	[sflag:s22] =	ssyncset.done $0x0  }
0xa6: {  	[sflag:s22] =	ssyncadd.s32 s5;
	_ =	sdelay $0x1  }
0xa7: {  	s23 =	simm.s32 $0x1B8B  }
0xa8: {  	_ =	swait.ge [sflag:s23], $0x1  }
0xa9: {  	[sflag:s23] =	ssyncset.done $0x0  }
0xaa: {  	s25 =	simm.s32 $0x1B8E;
	s24 =	sld [smem:$0x3FFE];
	[sflag:s23] =	ssyncadd.s32 $0xFFFFFFFF  }
0xab: {  	s26 =	simm.s32 $execute0_lowered;
	[smem:$0x3FD2] =	sst s25  }
0xac: {  	s6 =	sshll.u32 s26, $0x1;
	_ =	strace $0x80000046;
	[dreg:$0x1] =	wrdreg $0xFFFFFFFF  }
0xad: {  	s28 =	simm.s32 $_size_execute0_lowered;
	s4 =	sadd.s32 s4, s6;
	[dreg:$0x0] =	wrdreg $0x0  }
0xae: {  	s6 =	sshll.u32 s28, $0x1;
	[dreg:$0x2] =	wrdreg s4  }
0xaf: {  	[dreg:$0x3] =	wrdreg s6  }
0xb0: {  	[dreg:$0x4] =	wrdreg $0xC0  }
0xb1: {  	_ =	task [dreg:s8], $0x5FFFF  }
0xb2: {  	[dreg:$0x1] =	wrdreg $0xFFFFFFFF  }
0xb3: {  	[dreg:$0x0] =	wrdreg $0x60  }
0xb4: {  	[dreg:$0x2] =	wrdreg s24  }
0xb5: {  	[dreg:$0x3] =	wrdreg s15  }
0xb6: {  	[dreg:$0x4] =	wrdreg s16  }
0xb7: {  	[dreg:$0x5] =	wrdreg $0x9  }
0xb8: {  	_ =	task.clear_ibuf [dreg:s8], $0x6FFFF;
	_ =	strace $0x90000046  }
0xb9: {  	s29 =	simm.s32 $0x9;
	_ =	strace $0x80000048  }
0xba: {  	_ =	swait.ge [sflag:s29], $0x1  }
0xbb: {  	[sflag:s29] =	ssyncadd.s32 $0xFFFFFFFF  }
0xbc: {  	_ =	strace $0x90000048  }
0xbd: {  	_ =	sfence  }
0xbe: {  	s30 =	sld [smem:$0x0];
	_ =	sdelay $0x2  }
0xbf: {  	s31 =	sshll.u32 s1, $0xD;
	s1 =	sshrl.u32 s1, $0x2  }
0xc0: {  	s3 =	sand.u32 $0x4000, s31;
	s1 =	sadd.s32 s1, s30  }
0xc1: {  	s0 =	sor.u32 s3, s0;
	s1 =	sshll.u32 s1, $0x11  }
0xc2: {  	s0 =	sor.u32 s1, s0  }
0xc3: {  	s0 =	sadd.s32 $0x8F2B, s0  }
0xc4: {  	[sflag:s0] =	ssyncadd.remote.s32 $0x1  }
0xc5: {  	_ =	sfence.sel $0xFFFF  }
0xc6: {  	[dreg:$0x0] =	wrdreg $0xFFFFFFFF;
	(pc) =	sbr.abs _section_cstart, $3  }
0xc7: {  	[dreg:$0x1] =	wrdreg $0xFFFFFFFF  }
0xc8: {  	_ =	task.clear_ibuf [dreg:s8], $0x2FFFF;
	_ =	strace $0x9FFFFFFF  }
0xc9: {  	(tm) =	ssettm $0x7FFFFFFF  }
tec
execute0_lowered:
.L_overlay_start_1:
0x0: {  	(tag) =	ssettag $0x1  }
0x1: {  	s6 =	rddreg [dreg:$0x0]  }
0x2: {  	s0 =	srdreg.scid;
	s7 =	rddreg [dreg:$0x1]  }
0x3: {  	s2 =	rddreg [dreg:$0x2];
	s3 =	simm.s32 $0x0;
	s9 =	simm.s32 $0x1  }
0x4: {  	s14 =	simm.s32 $0x2;
	s15 =	simm.s32 $0x3;
	s5 =	sand.u32 $0x1, s0  }
0x5: {  	s16 =	simm.s32 $0x4;
	s0 =	stileid.u32;
	s1 =	sshll.u32 s5, $0x4  }
0x6: {  	s17 =	simm.s32 $0x0;
	s8 =	sand.u32 $0x1, s0;
	s4 =	sor.u32 s0, s1  }
0x7: {  	[smem:$0x7FF] =	sst s3;
	p1 =	seq.s32 s8, $0x1;
	p0 =	seq.s32 s4, $0x0  }
0x8: {  	s5 =	ssub.s32 $0x2, s5;
	s1 =	rddreg [dreg:$0x3];
	p0 =	por !p0, !p1  }
0x9: {  	_ =	strace $0x80000047;
	s10 =	sshll.u32 s8, $0xD;
	p0 =	por !p0, !p0  }
0xa: {  	s8 =	sshll.u32 s8, $0xE;
	s4 =	sshrl.u32 s4, $0x1;
	s9 =	simm.s32 @!p0 $0x0  }
0xb: {  	s31 =	sshrl.u32 s5, $0x1;
	s9 =	ssub.s32 s4, s9;
	s4 =	simm.s32 $0x1  }
0xc: {  	s11 =	sshll.u32 s9, $0xF;
	s13 =	sshll.u32 s9, $0xB;
	s9 =	sshll.u32 s9, $0x7  }
0xd: {  	s12 =	sor.u32 s10, s11;
	s13 =	sand.u32 $0xFFFFC000, s13;
	s9 =	sand.u32 $0x380, s9  }
0xe: {  	s8 =	sor.u32 s8, s11;
	s11 =	simm.s32 $0x2000;
	s12 =	sshrl.u32 s12, $0x3  }
0xf: {  	s9 =	sor.u32 s13, s9;
	s8 =	sshrl.u32 s8, $0x3;
	s13 =	simm.s32 $0x4400  }
0x10: {  	s12 =	sadd.s32 s12, s6;
	s9 =	sor.u32 s10, s9;
	s8 =	sadd.s32 s8, s6  }
0x11: {  	s10 =	ssub.s32 s5, s31;
	s9 =	sshrl.u32 s9, $0x3;
	s6 =	sadd.s32 $0xA00, s12  }
0x12: {  	s12 =	simm.s32 $0x4000;
	s5 =	sadd.s32 s7, s9;
	s7 =	sadd.s32 $0x10A00, s8  }
0x13: {  	s8 =	smax.u32 s10, $0x1;
	s9 =	simm.s32 $0x80;
	s10 =	simm.s32 $0x400  }
.LBB2_1:
0x14: {  	[tilespmem:s3], [sflag:$0x1] =	stream.strided.gather [hbm4b:s5+s9], $0x400, s10, s9, $0x38;
	[tilespmem:$0x8400] =	vst v63  }
0x15: {  	_ = 	snop  }
0x16: {  	[tilespmem:s10], [sflag:$0x2] =	stream.strided.gather [hbm4b:s6+s11], $0x4000, s12, s11, $0x38;
	[tilespmem:$0x8400] =	vst v63  }
0x17: {  	_ = 	snop  }
0x18: {  	[tilespmem:s13], [sflag:$0x3] =	stream.linear.gather [hbm4b:s2+s3], $0x4000, $0x38;
	[tilespmem:$0x8400] =	vst v63  }
0x19: {  	_ =	swait.ge [sflag:s4], $0x400  }
0x1a: {  	[sflag:s4] =	ssyncset.done $0x0  }
0x1b: {  	[sflag:s4] =	ssyncadd.s32 $0xFFFFFC00  }
0x1c: {  	_ =	swait.ge [sflag:s14], $0x4000  }
0x1d: {  	[sflag:s14] =	ssyncset.done $0x0  }
0x1e: {  	[sflag:s14] =	ssyncadd.s32 $0xFFFFC000  }
0x1f: {  	_ =	swait.ge [sflag:s15], $0x4000  }
0x20: {  	[sflag:s15] =	ssyncset.done $0x0  }
0x21: {  	[sflag:s15] =	ssyncadd.s32 $0xFFFFC000  }
0x22: {  	v0 =	vld [tilespmem:s3+$0x0];
	_ =	sdelay $0x4  }
0x23: {  	s18 =	sand.u32 $0x70, s3;
	s19 =	sand.u32 $0x1C00, s3;
	v1 =	vshll.u32 v0, $0x3  }
0x24: {  	s19 =	sor.u32 s18, s19;
	v0 =	vand.u32 $0x7F, v0;
	v1 =	vand.u32 $0xFFFFFC00, v1  }
0x25: {  	v2 =	vld [tilespmem:s19+$0x400];
	v1 =	vor.u32 v0, v1;
	_ =	sdelay $0x4  }
0x26: {  	[tilespmem:v1+s13+$0x0] =	vst.idx.add.f32.msk $0xffff, v2  }
0x27: {  	v2 =	vor.u32 $0x80, v1;
	v0 =	vld [tilespmem:s19+$0x480];
	_ =	sdelay $0x4  }
0x28: {  	[tilespmem:v2+s13+$0x0] =	vst.idx.add.f32.msk $0xffff, v0  }
0x29: {  	v2 =	vor.u32 $0x100, v1;
	v0 =	vld [tilespmem:s19+$0x500];
	_ =	sdelay $0x4  }
0x2a: {  	[tilespmem:v2+s13+$0x0] =	vst.idx.add.f32.msk $0xffff, v0  }
0x2b: {  	v2 =	vor.u32 $0x180, v1;
	v0 =	vld [tilespmem:s19+$0x580];
	_ =	sdelay $0x4  }
0x2c: {  	[tilespmem:v2+s13+$0x0] =	vst.idx.add.f32.msk $0xffff, v0  }
0x2d: {  	v2 =	vor.u32 $0x200, v1;
	v0 =	vld [tilespmem:s19+$0x600];
	_ =	sdelay $0x4  }
0x2e: {  	[tilespmem:v2+s13+$0x0] =	vst.idx.add.f32.msk $0xffff, v0  }
0x2f: {  	v2 =	vor.u32 $0x280, v1;
	v0 =	vld [tilespmem:s19+$0x680];
	_ =	sdelay $0x4  }
0x30: {  	[tilespmem:v2+s13+$0x0] =	vst.idx.add.f32.msk $0xffff, v0  }
0x31: {  	v2 =	vor.u32 $0x300, v1;
	v0 =	vld [tilespmem:s19+$0x700];
	_ =	sdelay $0x3  }
0x32: {  	s31 =	sor.u32 s3, s3  }
0x33: {  	s18 =	sor.u32 $0x380, s31;
	[tilespmem:v2+s13+$0x0] =	vst.idx.add.f32.msk $0xffff, v0  }
0x34: {  	v2 =	vor.u32 $0x380, v1;
	v0 =	vld [tilespmem:s18+$0x400];
	_ =	sdelay $0x4  }
0x35: {  	[tilespmem:v2+s13+$0x0] =	vst.idx.add.f32.msk $0xffff, v0  }
0x36: {  	v2 =	vadd.s32 $0x2000, v1;
	v0 =	vld [tilespmem:s19+$0x2400];
	_ =	sdelay $0x4  }
0x37: {  	[tilespmem:v2+s13+$0x0] =	vst.idx.add.f32.msk $0xffff, v0  }
0x38: {  	s20 =	simm.s32 $0x0;
	s18 =	simm.s32 $0x10;
	v1 =	vadd.s32 $0x2080, v1;
	v0 =	vld [tilespmem:s19+$0x2480];
	s19 =	simm.s32 $0x0  }
.LBB2_2:
0x39: {  	_ =	sdelay $0x3  }
0x3a: {  	p0 =	sne.s32 s18, $0x3F0;
	s19 =	sadd.s32 $0x80, s19;
	s20 =	sadd.s32 $0x10, s20;
	[tilespmem:v1+s13+$0x0] =	vst.idx.add.f32.msk $0xffff, v0  }
0x3b: {  	s22 =	smov.u32 s18;
	s18 =	sadd.s32 $0x10, s18;
	v0 =	vld [tilespmem:s20+$0x0];
	_ =	sdelay $0x4  }
0x3c: {  	s21 =	sand.u32 $0x70, s22;
	s23 =	sand.u32 $0x1C00, s19;
	v1 =	vshll.u32 v0, $0x3  }
0x3d: {  	s21 =	sor.u32 s21, s23;
	v0 =	vand.u32 $0x7F, v0;
	v1 =	vand.u32 $0xFFFFFC00, v1  }
0x3e: {  	v2 =	vld [tilespmem:s21+$0x400];
	v1 =	vor.u32 v0, v1;
	_ =	sdelay $0x4  }
0x3f: {  	[tilespmem:v1+s13+$0x0] =	vst.idx.add.f32.msk $0xffff, v2  }
0x40: {  	v2 =	vor.u32 $0x80, v1;
	v0 =	vld [tilespmem:s21+$0x480];
	_ =	sdelay $0x4  }
0x41: {  	[tilespmem:v2+s13+$0x0] =	vst.idx.add.f32.msk $0xffff, v0  }
0x42: {  	v2 =	vor.u32 $0x100, v1;
	v0 =	vld [tilespmem:s21+$0x500];
	_ =	sdelay $0x4  }
0x43: {  	[tilespmem:v2+s13+$0x0] =	vst.idx.add.f32.msk $0xffff, v0  }
0x44: {  	v2 =	vor.u32 $0x180, v1;
	v0 =	vld [tilespmem:s21+$0x580];
	_ =	sdelay $0x4  }
0x45: {  	[tilespmem:v2+s13+$0x0] =	vst.idx.add.f32.msk $0xffff, v0  }
0x46: {  	v2 =	vor.u32 $0x200, v1;
	v0 =	vld [tilespmem:s21+$0x600];
	_ =	sdelay $0x4  }
0x47: {  	[tilespmem:v2+s13+$0x0] =	vst.idx.add.f32.msk $0xffff, v0  }
0x48: {  	v2 =	vor.u32 $0x280, v1;
	v0 =	vld [tilespmem:s21+$0x680];
	_ =	sdelay $0x4  }
0x49: {  	[tilespmem:v2+s13+$0x0] =	vst.idx.add.f32.msk $0xffff, v0  }
0x4a: {  	v2 =	vor.u32 $0x300, v1;
	v0 =	vld [tilespmem:s21+$0x700];
	_ =	sdelay $0x3  }
0x4b: {  	s22 =	sor.u32 s19, s22  }
0x4c: {  	s22 =	sor.u32 $0x380, s22;
	[tilespmem:v2+s13+$0x0] =	vst.idx.add.f32.msk $0xffff, v0  }
0x4d: {  	v2 =	vor.u32 $0x380, v1;
	v0 =	vld [tilespmem:s22+$0x400];
	_ =	sdelay $0x4  }
0x4e: {  	[tilespmem:v2+s13+$0x0] =	vst.idx.add.f32.msk $0xffff, v0  }
0x4f: {  	v2 =	vadd.s32 $0x2000, v1;
	v0 =	vld [tilespmem:s21+$0x2400];
	_ =	sdelay $0x1  }
.Ltmp0:
0x50: {  	(pc) =	sbr.rel @p0 .LBB2_2-.Ltmp0, $3  }
0x51: {  	_ =	sdelay $0x1  }
0x52: {  	[tilespmem:v2+s13+$0x0] =	vst.idx.add.f32.msk $0xffff, v0  }
0x53: {  	v1 =	vadd.s32 $0x2080, v1;
	v0 =	vld [tilespmem:s21+$0x2480]  }
0x54: {  	_ =	sdelay $0x1  }
0x55: {  	s17 =	sadd.s32 $0x1, s17  }
0x56: {  	p0 =	sne.s32 s17, s8  }
.Ltmp1:
0x57: {  	[tilespmem:v1+s13+$0x0] =	vst.idx.add.f32.msk $0xffff, v0;
	(pc) =	sbr.rel @p0 .LBB2_1-.Ltmp1, $4  }
0x58: {  	[hbm4b:s7+s3] =	stream.linear.scatter [tilespmem:s13], [sflag:$0x4], $0x4000, $0x38;
	[tilespmem:$0x8400] =	vst v63  }
0x59: {  	_ =	swait.ge [sflag:s16], $0x4000  }
0x5a: {  	[sflag:s16] =	ssyncset.done $0x0  }
0x5b: {  	[sflag:s16] =	ssyncadd.s32 $0xFFFFC000  }
0x5c: {  	_ =	sfence.sel $0x180000  }
0x5d: {  	[bflag:$0x0] =	sbarrier.arrive $0xFFFF  }
0x5e: {  	p0 =	sne.s32 s0, $0x0;
	_ =	strace $0x90000047  }
0x5f: {  	s0 =	sadd.s32 @!p0 $0x100000, s1;
	[bflag:$0x2] =	sbarrier.arrive $0xFFFF  }
0x60: {  	[sflag:s0] =	ssyncadd.tile.s32 @!p0 $0x1;
	_ =	shalt  }
.Lfunc_end2:
_tile_overlayer_lowered:
.L_overlay_start_2:
0x61: {  	(tag) =	ssettag $0x2  }
0x62: {  	s0 =	rddreg [dreg:$0x0];
	s2 =	stileid.u32  }
0x63: {  	s1 =	rddreg [dreg:$0x1];
	p0 =	sne.s32 s2, $0x0  }
0x64: {  	s3 =	rddreg [dreg:$0x2];
	[bflag:$0x3] =	sbarrier.arrive $0xFFFF;
	s2 =	simm.s32 @!p0 $0x1C04  }
0x65: {  	[timem:s3], [sflag:s2] =	dma.local @!p0 [hbm:s0], s1  }
0x66: {  	s0 =	simm.s32 @!p0 $0x4  }
0x67: {  	_ =	swait.ge @!p0 [sflag:s0], s1  }
0x68: {  	s1 =	ssub.s32 @!p0 $0x0, s1;
	[sflag:s0] =	ssyncset.done @!p0 $0x0  }
0x69: {  	[sflag:s0] =	ssyncadd.s32 @!p0 s1  }
0x6a: {  	[bflag:$0x3] =	sbarrier.arrive $0xFFFF  }
0x6b: {  	_ =	shalt  }

</sc_bundles>
